<compile_context>
chip_gen: v7x
topology: tpu7x:2x2x1
jax: 0.10.2.dev20260603
libtpu: 0.0.44.dev20260713+nightly
codegen_flags: <defaults>
</compile_context>

<pallas_src>
import functools

import jax
import jax.numpy as jnp
from jax import lax
from jax.experimental import pallas as pl
from jax.experimental.pallas import tpu as pltpu
from jax.experimental.pallas import tpu_sc as plsc

N_EMBD = 128
NUM_CORES = 2
NUM_SUBCORES = 16
NUM_WORKERS = NUM_CORES * NUM_SUBCORES
CHUNK = 400
SUPER = 16
REPLICAS = 16384


@functools.partial(jax.jit, static_argnames=("batch", "seq"))
def _lookup(table, xf, batch, seq):
    b_total = batch * seq
    b_per_w = b_total // NUM_WORKERS
    n_chunks = b_per_w // CHUNK
    assert n_chunks % SUPER == 0 and n_chunks >= 2 * SUPER
    mesh = plsc.VectorSubcoreMesh(core_axis_name="c", subcore_axis_name="s")

    @functools.partial(
        pl.kernel,
        mesh=mesh,
        out_type=jax.ShapeDtypeStruct((b_total, N_EMBD), jnp.float32),
        scratch_types=[
            pltpu.VMEM((SUPER * CHUNK,), jnp.int32),
            pltpu.VMEM((2, CHUNK, N_EMBD), jnp.float32),
            pltpu.SemaphoreType.DMA,
            pltpu.SemaphoreType.DMA,
            pltpu.SemaphoreType.DMA,
            pltpu.SemaphoreType.DMA,
        ],
    )
    def k(table_hbm, idx_hbm, out_hbm, idx_v, rows_v, g0, g1, w0, w1):
        wid = lax.axis_index("s") * NUM_CORES + lax.axis_index("c")
        base = wid * b_per_w
        gsem = (g0, g1)
        wsem = (w0, w1)

        def load_super(s):
            pltpu.sync_copy(
                idx_hbm.at[pl.ds(base + s * (SUPER * CHUNK), SUPER * CHUNK)],
                idx_v,
            )

        def start_gather(g, slot):
            j = lax.rem(g, SUPER)
            idx_ref = idx_v.at[pl.ds(j * CHUNK, CHUNK)]
            pltpu.async_copy(table_hbm.at[idx_ref], rows_v.at[slot], gsem[slot])

        def wait_gather(slot):
            pltpu.make_async_copy(
                out_hbm.at[pl.ds(0, CHUNK)], rows_v.at[slot], gsem[slot]
            ).wait()

        def start_write(g, slot):
            pltpu.async_copy(
                rows_v.at[slot],
                out_hbm.at[pl.ds(base + g * CHUNK, CHUNK)],
                wsem[slot],
            )

        def wait_write(slot):
            pltpu.make_async_copy(
                rows_v.at[slot], out_hbm.at[pl.ds(0, CHUNK)], wsem[slot]
            ).wait()

        load_super(0)
        start_gather(0, 0)
        wait_gather(0)
        start_write(0, 0)
        start_gather(1, 1)

        def body(i, _):
            for p in range(2):
                g = 2 * i + 2 + p
                slot = p
                other = 1 - p
                wait_gather(other)
                start_write(g - 1, other)
                if p == 0:

                    @pl.when(lax.rem(g, SUPER) == 0)
                    def _():
                        load_super(g // SUPER)

                wait_write(slot)
                start_gather(g, slot)
            return 0

        lax.fori_loop(0, (n_chunks - 2) // 2, body, 0)

        wait_gather(1)
        start_write(n_chunks - 1, 1)
        wait_write(0)
        wait_write(1)

    return k(table, xf)


def kernel(x, table):
    batch, seq = x.shape
    n_rows = table.shape[0]
    table_rep = jnp.tile(table, (REPLICAS, 1))
    xf = x.reshape(batch * seq).astype(jnp.int32)
    replica = jnp.arange(batch * seq, dtype=jnp.int32) % REPLICAS
    xf = xf + n_rows * replica
    out = _lookup(table_rep, xf, batch, seq)
    return out.reshape(batch, seq, N_EMBD)

# --- scband reference (transcript-rebuilt; emitter-appended) ---
"""Pipeline reference for scband-simple-action-tokenizer-35296041238656 (READ-ONLY COPY).

The authoritative reference and input builder live on the scoring server;
editing this copy changes nothing except your own understanding.
"""

import jax, jax.numpy as jnp
import numpy as np

N_EMBD = 128
ACTION_DIM = 4
BATCH = 16384
SEQ = 200

def setup_inputs(seed: int = 0) -> dict:
    key = jax.random.key(seed)
    k1, k2 = jax.random.split(key)
    x = jax.random.randint(k1, (BATCH, SEQ), 0, ACTION_DIM, dtype=jnp.int64 if jax.config.jax_enable_x64 else jnp.int32)
    # nn.Embedding default init: N(0, 1)
    table = jax.random.normal(k2, (ACTION_DIM, N_EMBD), dtype=jnp.float32)
    return {"x": x, "table": table}

def reference(x, table):
    # SimpleActionTokenizer with input_type='discrete': nn.Embedding(action_dim, n_embd)
    return jnp.take(table, x, axis=0)

if __name__ == "__main__":
    import jax
    _d = setup_inputs()
    print(jax.jit(kernel)(*tuple(_d.values())))

</pallas_src>

<mosaic_0001>
#map = affine_map<(d0, d1) -> (0, 0)>
#map1 = affine_map<(d0, d1) -> (0)>
module attributes {stable_mosaic.version = 14 : i64} {
  func.func @k(%arg0: i32, %arg1: i32, %arg2: memref<65536x128xf32, #tpu.memory_space<hbm>>, %arg3: memref<3276800xi32, #tpu.memory_space<hbm>>, %arg4: memref<3276800x128xf32, #tpu.memory_space<hbm>>, %arg5: memref<6400xi32, #tpu.memory_space<vmem>>, %arg6: memref<2x400x128xf32, #tpu.memory_space<vmem>>, %arg7: memref<!tpu.dma_semaphore, #tpu.memory_space<semaphore_mem>>, %arg8: memref<!tpu.dma_semaphore, #tpu.memory_space<semaphore_mem>>, %arg9: memref<!tpu.dma_semaphore, #tpu.memory_space<semaphore_mem>>, %arg10: memref<!tpu.dma_semaphore, #tpu.memory_space<semaphore_mem>>) attributes {dimension_semantics = [#tpu.dimension_semantics<core_parallel>, #tpu.dimension_semantics<subcore_parallel>], iteration_bounds = array<i64: 2, 16>, scalar_prefetch = 0 : i64, scratch_operands = 6 : i64, tpu.core_type = #tpu.core_type<sc_vector_subcore>, window_params = [{transform_indices = #map}, {transform_indices = #map1}, {transform_indices = #map}]} {
    %mul3A = arith.constant 2 : i32
    %mul3A_0 = arith.muli %arg1, %mul3A : i32
    %add3A = arith.addi %mul3A_0, %arg0 : i32
    %mul3A_1 = arith.constant 102400 : i32
    %mul3A_2 = arith.muli %add3A, %mul3A_1 : i32
    %add3A_3 = arith.constant 0 : i32
    %add3A_4 = arith.addi %mul3A_2, %add3A_3 : i32
    "tpu.region"() ({
      %run_scoped3A = tpu.sem_alloc : memref<!tpu.dma_semaphore, #tpu.memory_space<semaphore_mem>>
      %dma_start3A_126 = tpu.memref_slice %arg3[%add3A_4] : memref<3276800xi32, #tpu.memory_space<hbm>> -> memref<6400xi32, #tpu.memory_space<hbm>>
      %dma_start3A_127 = tpu.memref_slice %arg3[%add3A_4] : memref<3276800xi32, #tpu.memory_space<hbm>> -> memref<6400xi32, #tpu.memory_space<hbm>>
      tpu.enqueue_dma source(%dma_start3A_127 : memref<6400xi32, #tpu.memory_space<hbm>>) target(%arg5 : memref<6400xi32, #tpu.memory_space<vmem>>) target_semaphore(%run_scoped3A : memref<!tpu.dma_semaphore, #tpu.memory_space<semaphore_mem>>)
      %dma_wait3A_128 = tpu.memref_slice %arg3[%add3A_4] : memref<3276800xi32, #tpu.memory_space<hbm>> -> memref<6400xi32, #tpu.memory_space<hbm>>
      %dma_wait3A_129 = tpu.memref_slice %arg3[%add3A_4] : memref<3276800xi32, #tpu.memory_space<hbm>> -> memref<6400xi32, #tpu.memory_space<hbm>>
      tpu.wait_dma2 semaphore(%run_scoped3A : memref<!tpu.dma_semaphore, #tpu.memory_space<semaphore_mem>>) src(%dma_wait3A_129 : memref<6400xi32, #tpu.memory_space<hbm>>) dst(%arg5 : memref<6400xi32, #tpu.memory_space<vmem>>)
      tpu.yield
    }) : () -> ()
    %rem3A = arith.constant 0 : i32
    %rem3A_5 = arith.constant 16 : i32
    %rem3A_6 = arith.remsi %rem3A, %rem3A_5 : i32
    %mul3A_7 = arith.constant 400 : i32
    %mul3A_8 = arith.muli %rem3A_6, %mul3A_7 : i32
    %dma_start3A = arith.constant 0 : i32
    %dma_start3A_9 = arith.constant 0 : i32
    %dma_start3A_10 = arith.constant 0 : i32
    %dma_start3A_11 = tpu.memref_slice %arg6[%dma_start3A, %dma_start3A_9, %dma_start3A_10] : memref<2x400x128xf32, #tpu.memory_space<vmem>> -> memref<1x400x128xf32, #tpu.memory_space<vmem>>
    %dma_start3A_12 = tpu.memref_squeeze %dma_start3A_11 : memref<1x400x128xf32, #tpu.memory_space<vmem>> -> memref<400x128xf32, #tpu.memory_space<vmem>>
    %dma_start3A_13 = tpu.memref_slice %arg5[%mul3A_8] : memref<6400xi32, #tpu.memory_space<vmem>> -> memref<400xi32, #tpu.memory_space<vmem>>
    %dma_start3A_14 = arith.constant 0 : i32
    %dma_start3A_15 = arith.constant 0 : i32
    %dma_start3A_16 = tpu.memref_slice %arg2[%dma_start3A_14, %dma_start3A_15] : memref<65536x128xf32, #tpu.memory_space<hbm>> -> memref<65536x128xf32, #tpu.memory_space<hbm>>
    tpu.enqueue_indirect_dma source(%dma_start3A_16 : memref<65536x128xf32, #tpu.memory_space<hbm>>) target(%dma_start3A_12 : memref<400x128xf32, #tpu.memory_space<vmem>>) offsets(%dma_start3A_13 : memref<400xi32, #tpu.memory_space<vmem>>) semaphore(%arg7 : memref<!tpu.dma_semaphore, #tpu.memory_space<semaphore_mem>>)
    %dma_wait3A = arith.constant 0 : i32
    %dma_wait3A_17 = arith.constant 0 : i32
    %dma_wait3A_18 = arith.constant 0 : i32
    %dma_wait3A_19 = tpu.memref_slice %arg6[%dma_wait3A, %dma_wait3A_17, %dma_wait3A_18] : memref<2x400x128xf32, #tpu.memory_space<vmem>> -> memref<1x400x128xf32, #tpu.memory_space<vmem>>
    %dma_wait3A_20 = tpu.memref_squeeze %dma_wait3A_19 : memref<1x400x128xf32, #tpu.memory_space<vmem>> -> memref<400x128xf32, #tpu.memory_space<vmem>>
    %dma_wait3A_21 = arith.constant 0 : i32
    %dma_wait3A_22 = arith.constant 0 : i32
    %dma_wait3A_23 = tpu.memref_slice %arg4[%dma_wait3A_21, %dma_wait3A_22] : memref<3276800x128xf32, #tpu.memory_space<hbm>> -> memref<400x128xf32, #tpu.memory_space<hbm>>
    %dma_wait3A_24 = arith.constant 0 : i32
    %dma_wait3A_25 = arith.constant 0 : i32
    %dma_wait3A_26 = tpu.memref_slice %arg6[%dma_wait3A, %dma_wait3A_24, %dma_wait3A_25] : memref<2x400x128xf32, #tpu.memory_space<vmem>> -> memref<1x400x128xf32, #tpu.memory_space<vmem>>
    %dma_wait3A_27 = tpu.memref_squeeze %dma_wait3A_26 : memref<1x400x128xf32, #tpu.memory_space<vmem>> -> memref<400x128xf32, #tpu.memory_space<vmem>>
    %dma_wait3A_28 = arith.constant 0 : i32
    %dma_wait3A_29 = arith.constant 0 : i32
    %dma_wait3A_30 = tpu.memref_slice %arg4[%dma_wait3A_28, %dma_wait3A_29] : memref<3276800x128xf32, #tpu.memory_space<hbm>> -> memref<400x128xf32, #tpu.memory_space<hbm>>
    tpu.wait_dma2 semaphore(%arg7 : memref<!tpu.dma_semaphore, #tpu.memory_space<semaphore_mem>>) src(%dma_wait3A_30 : memref<400x128xf32, #tpu.memory_space<hbm>>) dst(%dma_wait3A_27 : memref<400x128xf32, #tpu.memory_space<vmem>>)
    %add3A_31 = arith.constant 0 : i32
    %add3A_32 = arith.addi %mul3A_2, %add3A_31 : i32
    %dma_start3A_33 = arith.constant 0 : i32
    %dma_start3A_34 = arith.constant 0 : i32
    %dma_start3A_35 = arith.constant 0 : i32
    %dma_start3A_36 = tpu.memref_slice %arg6[%dma_start3A_33, %dma_start3A_34, %dma_start3A_35] : memref<2x400x128xf32, #tpu.memory_space<vmem>> -> memref<1x400x128xf32, #tpu.memory_space<vmem>>
    %dma_start3A_37 = tpu.memref_squeeze %dma_start3A_36 : memref<1x400x128xf32, #tpu.memory_space<vmem>> -> memref<400x128xf32, #tpu.memory_space<vmem>>
    %dma_start3A_38 = arith.constant 0 : i32
    %dma_start3A_39 = tpu.memref_slice %arg4[%add3A_32, %dma_start3A_38] : memref<3276800x128xf32, #tpu.memory_space<hbm>> -> memref<400x128xf32, #tpu.memory_space<hbm>>
    %dma_start3A_40 = arith.constant 0 : i32
    %dma_start3A_41 = tpu.memref_slice %arg4[%add3A_32, %dma_start3A_40] : memref<3276800x128xf32, #tpu.memory_space<hbm>> -> memref<400x128xf32, #tpu.memory_space<hbm>>
    %dma_start3A_42 = arith.constant 0 : i32
    %dma_start3A_43 = arith.constant 0 : i32
    %dma_start3A_44 = tpu.memref_slice %arg6[%dma_start3A_33, %dma_start3A_42, %dma_start3A_43] : memref<2x400x128xf32, #tpu.memory_space<vmem>> -> memref<1x400x128xf32, #tpu.memory_space<vmem>>
    %dma_start3A_45 = tpu.memref_squeeze %dma_start3A_44 : memref<1x400x128xf32, #tpu.memory_space<vmem>> -> memref<400x128xf32, #tpu.memory_space<vmem>>
    tpu.enqueue_dma source(%dma_start3A_45 : memref<400x128xf32, #tpu.memory_space<vmem>>) target(%dma_start3A_41 : memref<400x128xf32, #tpu.memory_space<hbm>>) target_semaphore(%arg9 : memref<!tpu.dma_semaphore, #tpu.memory_space<semaphore_mem>>)
    %rem3A_46 = arith.constant 1 : i32
    %rem3A_47 = arith.constant 16 : i32
    %rem3A_48 = arith.remsi %rem3A_46, %rem3A_47 : i32
    %mul3A_49 = arith.constant 400 : i32
    %mul3A_50 = arith.muli %rem3A_48, %mul3A_49 : i32
    %dma_start3A_51 = arith.constant 1 : i32
    %dma_start3A_52 = arith.constant 0 : i32
    %dma_start3A_53 = arith.constant 0 : i32
    %dma_start3A_54 = tpu.memref_slice %arg6[%dma_start3A_51, %dma_start3A_52, %dma_start3A_53] : memref<2x400x128xf32, #tpu.memory_space<vmem>> -> memref<1x400x128xf32, #tpu.memory_space<vmem>>
    %dma_start3A_55 = tpu.memref_squeeze %dma_start3A_54 : memref<1x400x128xf32, #tpu.memory_space<vmem>> -> memref<400x128xf32, #tpu.memory_space<vmem>>
    %dma_start3A_56 = tpu.memref_slice %arg5[%mul3A_50] : memref<6400xi32, #tpu.memory_space<vmem>> -> memref<400xi32, #tpu.memory_space<vmem>>
    %dma_start3A_57 = arith.constant 0 : i32
    %dma_start3A_58 = arith.constant 0 : i32
    %dma_start3A_59 = tpu.memref_slice %arg2[%dma_start3A_57, %dma_start3A_58] : memref<65536x128xf32, #tpu.memory_space<hbm>> -> memref<65536x128xf32, #tpu.memory_space<hbm>>
    tpu.enqueue_indirect_dma source(%dma_start3A_59 : memref<65536x128xf32, #tpu.memory_space<hbm>>) target(%dma_start3A_55 : memref<400x128xf32, #tpu.memory_space<vmem>>) offsets(%dma_start3A_56 : memref<400xi32, #tpu.memory_space<vmem>>) semaphore(%arg8 : memref<!tpu.dma_semaphore, #tpu.memory_space<semaphore_mem>>)
    %scan3A = arith.constant 0 : i32
    %scan3A_60 = arith.constant 0 : i32
    %scan3A_61 = arith.constant 127 : i32
    %scan3A_62 = arith.addi %scan3A_60, %scan3A_61 : i32
    %scan3A_63 = arith.constant 1 : i32
    %scan3A_64 = scf.for %scan3A_126 = %scan3A_60 to %scan3A_62 step %scan3A_63 iter_args(%scan3A_127 = %scan3A) -> (i32)  : i32 {
      %mul3A_128 = arith.constant 2 : i32
      %mul3A_129 = arith.muli %mul3A_128, %scan3A_126 : i32
      %add3A_130 = arith.constant 2 : i32
      %add3A_131 = arith.addi %mul3A_129, %add3A_130 : i32
      %add3A_132 = arith.constant 0 : i32
      %add3A_133 = arith.addi %add3A_131, %add3A_132 : i32
      %dma_wait3A_134 = arith.constant 1 : i32
      %dma_wait3A_135 = arith.constant 0 : i32
      %dma_wait3A_136 = arith.constant 0 : i32
      %dma_wait3A_137 = tpu.memref_slice %arg6[%dma_wait3A_134, %dma_wait3A_135, %dma_wait3A_136] : memref<2x400x128xf32, #tpu.memory_space<vmem>> -> memref<1x400x128xf32, #tpu.memory_space<vmem>>
      %dma_wait3A_138 = tpu.memref_squeeze %dma_wait3A_137 : memref<1x400x128xf32, #tpu.memory_space<vmem>> -> memref<400x128xf32, #tpu.memory_space<vmem>>
      %dma_wait3A_139 = arith.constant 0 : i32
      %dma_wait3A_140 = arith.constant 0 : i32
      %dma_wait3A_141 = tpu.memref_slice %arg4[%dma_wait3A_139, %dma_wait3A_140] : memref<3276800x128xf32, #tpu.memory_space<hbm>> -> memref<400x128xf32, #tpu.memory_space<hbm>>
      %dma_wait3A_142 = arith.constant 0 : i32
      %dma_wait3A_143 = arith.constant 0 : i32
      %dma_wait3A_144 = tpu.memref_slice %arg6[%dma_wait3A_134, %dma_wait3A_142, %dma_wait3A_143] : memref<2x400x128xf32, #tpu.memory_space<vmem>> -> memref<1x400x128xf32, #tpu.memory_space<vmem>>
      %dma_wait3A_145 = tpu.memref_squeeze %dma_wait3A_144 : memref<1x400x128xf32, #tpu.memory_space<vmem>> -> memref<400x128xf32, #tpu.memory_space<vmem>>
      %dma_wait3A_146 = arith.constant 0 : i32
      %dma_wait3A_147 = arith.constant 0 : i32
      %dma_wait3A_148 = tpu.memref_slice %arg4[%dma_wait3A_146, %dma_wait3A_147] : memref<3276800x128xf32, #tpu.memory_space<hbm>> -> memref<400x128xf32, #tpu.memory_space<hbm>>
      tpu.wait_dma2 semaphore(%arg8 : memref<!tpu.dma_semaphore, #tpu.memory_space<semaphore_mem>>) src(%dma_wait3A_148 : memref<400x128xf32, #tpu.memory_space<hbm>>) dst(%dma_wait3A_145 : memref<400x128xf32, #tpu.memory_space<vmem>>)
      %sub3A = arith.constant 1 : i32
      %sub3A_149 = arith.subi %add3A_133, %sub3A : i32
      %mul3A_150 = arith.constant 400 : i32
      %mul3A_151 = arith.muli %sub3A_149, %mul3A_150 : i32
      %add3A_152 = arith.addi %mul3A_2, %mul3A_151 : i32
      %dma_start3A_153 = arith.constant 1 : i32
      %dma_start3A_154 = arith.constant 0 : i32
      %dma_start3A_155 = arith.constant 0 : i32
      %dma_start3A_156 = tpu.memref_slice %arg6[%dma_start3A_153, %dma_start3A_154, %dma_start3A_155] : memref<2x400x128xf32, #tpu.memory_space<vmem>> -> memref<1x400x128xf32, #tpu.memory_space<vmem>>
      %dma_start3A_157 = tpu.memref_squeeze %dma_start3A_156 : memref<1x400x128xf32, #tpu.memory_space<vmem>> -> memref<400x128xf32, #tpu.memory_space<vmem>>
      %dma_start3A_158 = arith.constant 0 : i32
      %dma_start3A_159 = tpu.memref_slice %arg4[%add3A_152, %dma_start3A_158] : memref<3276800x128xf32, #tpu.memory_space<hbm>> -> memref<400x128xf32, #tpu.memory_space<hbm>>
      %dma_start3A_160 = arith.constant 0 : i32
      %dma_start3A_161 = tpu.memref_slice %arg4[%add3A_152, %dma_start3A_160] : memref<3276800x128xf32, #tpu.memory_space<hbm>> -> memref<400x128xf32, #tpu.memory_space<hbm>>
      %dma_start3A_162 = arith.constant 0 : i32
      %dma_start3A_163 = arith.constant 0 : i32
      %dma_start3A_164 = tpu.memref_slice %arg6[%dma_start3A_153, %dma_start3A_162, %dma_start3A_163] : memref<2x400x128xf32, #tpu.memory_space<vmem>> -> memref<1x400x128xf32, #tpu.memory_space<vmem>>
      %dma_start3A_165 = tpu.memref_squeeze %dma_start3A_164 : memref<1x400x128xf32, #tpu.memory_space<vmem>> -> memref<400x128xf32, #tpu.memory_space<vmem>>
      tpu.enqueue_dma source(%dma_start3A_165 : memref<400x128xf32, #tpu.memory_space<vmem>>) target(%dma_start3A_161 : memref<400x128xf32, #tpu.memory_space<hbm>>) target_semaphore(%arg10 : memref<!tpu.dma_semaphore, #tpu.memory_space<semaphore_mem>>)
      %rem3A_166 = arith.constant 16 : i32
      %rem3A_167 = arith.remsi %add3A_133, %rem3A_166 : i32
      %eq3A = arith.constant 0 : i32
      %eq3A_168 = arith.cmpi eq, %rem3A_167, %eq3A : i32
      %convert_element_type3A = arith.extui %eq3A_168 : i1 to i32
      %cond3A = arith.constant 0 : i32
      %cond3A_169 = arith.cmpi ne, %convert_element_type3A, %cond3A : i32
      scf.if %cond3A_169 {
        %jit3A = arith.constant 16 : i32
        %div3A = arith.divsi %add3A_133, %jit3A : i32
        %sign3A = arith.constant 0 : i32
        %sign3A_266 = arith.cmpi sgt, %add3A_133, %sign3A : i32
        %sign3A_267 = arith.extui %sign3A_266 : i1 to i32
        %sign3A_268 = arith.constant 0 : i32
        %sign3A_269 = arith.cmpi slt, %add3A_133, %sign3A_268 : i32
        %sign3A_270 = arith.extui %sign3A_269 : i1 to i32
        %sign3A_271 = arith.subi %sign3A_267, %sign3A_270 : i32
        %sign3A_272 = arith.constant 0 : i32
        %sign3A_273 = arith.cmpi sgt, %jit3A, %sign3A_272 : i32
        %sign3A_274 = arith.extui %sign3A_273 : i1 to i32
        %sign3A_275 = arith.constant 0 : i32
        %sign3A_276 = arith.cmpi slt, %jit3A, %sign3A_275 : i32
        %sign3A_277 = arith.extui %sign3A_276 : i1 to i32
        %sign3A_278 = arith.subi %sign3A_274, %sign3A_277 : i32
        %ne3A = arith.cmpi ne, %sign3A_271, %sign3A_278 : i32
        %rem3A_279 = arith.remsi %add3A_133, %jit3A : i32
        %ne3A_280 = arith.constant 0 : i32
        %ne3A_281 = arith.cmpi ne, %rem3A_279, %ne3A_280 : i32
        %and3A = arith.andi %ne3A, %ne3A_281 : i1
        %sub3A_282 = arith.constant 1 : i32
        %sub3A_283 = arith.subi %div3A, %sub3A_282 : i32
        %select_n3A = arith.select %and3A, %sub3A_283, %div3A : i32
        %mul3A_284 = arith.constant 6400 : i32
        %mul3A_285 = arith.muli %select_n3A, %mul3A_284 : i32
        %add3A_286 = arith.addi %mul3A_2, %mul3A_285 : i32
        "tpu.region"() ({
          %run_scoped3A = tpu.sem_alloc : memref<!tpu.dma_semaphore, #tpu.memory_space<semaphore_mem>>
          %dma_start3A_287 = tpu.memref_slice %arg3[%add3A_286] : memref<3276800xi32, #tpu.memory_space<hbm>> -> memref<6400xi32, #tpu.memory_space<hbm>>
          %dma_start3A_288 = tpu.memref_slice %arg3[%add3A_286] : memref<3276800xi32, #tpu.memory_space<hbm>> -> memref<6400xi32, #tpu.memory_space<hbm>>
          tpu.enqueue_dma source(%dma_start3A_288 : memref<6400xi32, #tpu.memory_space<hbm>>) target(%arg5 : memref<6400xi32, #tpu.memory_space<vmem>>) target_semaphore(%run_scoped3A : memref<!tpu.dma_semaphore, #tpu.memory_space<semaphore_mem>>)
          %dma_wait3A_289 = tpu.memref_slice %arg3[%add3A_286] : memref<3276800xi32, #tpu.memory_space<hbm>> -> memref<6400xi32, #tpu.memory_space<hbm>>
          %dma_wait3A_290 = tpu.memref_slice %arg3[%add3A_286] : memref<3276800xi32, #tpu.memory_space<hbm>> -> memref<6400xi32, #tpu.memory_space<hbm>>
          tpu.wait_dma2 semaphore(%run_scoped3A : memref<!tpu.dma_semaphore, #tpu.memory_space<semaphore_mem>>) src(%dma_wait3A_290 : memref<6400xi32, #tpu.memory_space<hbm>>) dst(%arg5 : memref<6400xi32, #tpu.memory_space<vmem>>)
          tpu.yield
        }) : () -> ()
      } else {
      }
      %dma_wait3A_170 = arith.constant 0 : i32
      %dma_wait3A_171 = arith.constant 0 : i32
      %dma_wait3A_172 = arith.constant 0 : i32
      %dma_wait3A_173 = tpu.memref_slice %arg6[%dma_wait3A_170, %dma_wait3A_171, %dma_wait3A_172] : memref<2x400x128xf32, #tpu.memory_space<vmem>> -> memref<1x400x128xf32, #tpu.memory_space<vmem>>
      %dma_wait3A_174 = tpu.memref_squeeze %dma_wait3A_173 : memref<1x400x128xf32, #tpu.memory_space<vmem>> -> memref<400x128xf32, #tpu.memory_space<vmem>>
      %dma_wait3A_175 = arith.constant 0 : i32
      %dma_wait3A_176 = arith.constant 0 : i32
      %dma_wait3A_177 = tpu.memref_slice %arg4[%dma_wait3A_175, %dma_wait3A_176] : memref<3276800x128xf32, #tpu.memory_space<hbm>> -> memref<400x128xf32, #tpu.memory_space<hbm>>
      %dma_wait3A_178 = arith.constant 0 : i32
      %dma_wait3A_179 = arith.constant 0 : i32
      %dma_wait3A_180 = tpu.memref_slice %arg4[%dma_wait3A_178, %dma_wait3A_179] : memref<3276800x128xf32, #tpu.memory_space<hbm>> -> memref<400x128xf32, #tpu.memory_space<hbm>>
      %dma_wait3A_181 = arith.constant 0 : i32
      %dma_wait3A_182 = arith.constant 0 : i32
      %dma_wait3A_183 = tpu.memref_slice %arg6[%dma_wait3A_170, %dma_wait3A_181, %dma_wait3A_182] : memref<2x400x128xf32, #tpu.memory_space<vmem>> -> memref<1x400x128xf32, #tpu.memory_space<vmem>>
      %dma_wait3A_184 = tpu.memref_squeeze %dma_wait3A_183 : memref<1x400x128xf32, #tpu.memory_space<vmem>> -> memref<400x128xf32, #tpu.memory_space<vmem>>
      tpu.wait_dma2 semaphore(%arg9 : memref<!tpu.dma_semaphore, #tpu.memory_space<semaphore_mem>>) src(%dma_wait3A_184 : memref<400x128xf32, #tpu.memory_space<vmem>>) dst(%dma_wait3A_180 : memref<400x128xf32, #tpu.memory_space<hbm>>)
      %rem3A_185 = arith.constant 16 : i32
      %rem3A_186 = arith.remsi %add3A_133, %rem3A_185 : i32
      %mul3A_187 = arith.constant 400 : i32
      %mul3A_188 = arith.muli %rem3A_186, %mul3A_187 : i32
      %dma_start3A_189 = arith.constant 0 : i32
      %dma_start3A_190 = arith.constant 0 : i32
      %dma_start3A_191 = arith.constant 0 : i32
      %dma_start3A_192 = tpu.memref_slice %arg6[%dma_start3A_189, %dma_start3A_190, %dma_start3A_191] : memref<2x400x128xf32, #tpu.memory_space<vmem>> -> memref<1x400x128xf32, #tpu.memory_space<vmem>>
      %dma_start3A_193 = tpu.memref_squeeze %dma_start3A_192 : memref<1x400x128xf32, #tpu.memory_space<vmem>> -> memref<400x128xf32, #tpu.memory_space<vmem>>
      %dma_start3A_194 = tpu.memref_slice %arg5[%mul3A_188] : memref<6400xi32, #tpu.memory_space<vmem>> -> memref<400xi32, #tpu.memory_space<vmem>>
      %dma_start3A_195 = arith.constant 0 : i32
      %dma_start3A_196 = arith.constant 0 : i32
      %dma_start3A_197 = tpu.memref_slice %arg2[%dma_start3A_195, %dma_start3A_196] : memref<65536x128xf32, #tpu.memory_space<hbm>> -> memref<65536x128xf32, #tpu.memory_space<hbm>>
      tpu.enqueue_indirect_dma source(%dma_start3A_197 : memref<65536x128xf32, #tpu.memory_space<hbm>>) target(%dma_start3A_193 : memref<400x128xf32, #tpu.memory_space<vmem>>) offsets(%dma_start3A_194 : memref<400xi32, #tpu.memory_space<vmem>>) semaphore(%arg7 : memref<!tpu.dma_semaphore, #tpu.memory_space<semaphore_mem>>)
      %mul3A_198 = arith.constant 2 : i32
      %mul3A_199 = arith.muli %mul3A_198, %scan3A_126 : i32
      %add3A_200 = arith.constant 2 : i32
      %add3A_201 = arith.addi %mul3A_199, %add3A_200 : i32
      %add3A_202 = arith.constant 1 : i32
      %add3A_203 = arith.addi %add3A_201, %add3A_202 : i32
      %dma_wait3A_204 = arith.constant 0 : i32
      %dma_wait3A_205 = arith.constant 0 : i32
      %dma_wait3A_206 = arith.constant 0 : i32
      %dma_wait3A_207 = tpu.memref_slice %arg6[%dma_wait3A_204, %dma_wait3A_205, %dma_wait3A_206] : memref<2x400x128xf32, #tpu.memory_space<vmem>> -> memref<1x400x128xf32, #tpu.memory_space<vmem>>
      %dma_wait3A_208 = tpu.memref_squeeze %dma_wait3A_207 : memref<1x400x128xf32, #tpu.memory_space<vmem>> -> memref<400x128xf32, #tpu.memory_space<vmem>>
      %dma_wait3A_209 = arith.constant 0 : i32
      %dma_wait3A_210 = arith.constant 0 : i32
      %dma_wait3A_211 = tpu.memref_slice %arg4[%dma_wait3A_209, %dma_wait3A_210] : memref<3276800x128xf32, #tpu.memory_space<hbm>> -> memref<400x128xf32, #tpu.memory_space<hbm>>
      %dma_wait3A_212 = arith.constant 0 : i32
      %dma_wait3A_213 = arith.constant 0 : i32
      %dma_wait3A_214 = tpu.memref_slice %arg6[%dma_wait3A_204, %dma_wait3A_212, %dma_wait3A_213] : memref<2x400x128xf32, #tpu.memory_space<vmem>> -> memref<1x400x128xf32, #tpu.memory_space<vmem>>
      %dma_wait3A_215 = tpu.memref_squeeze %dma_wait3A_214 : memref<1x400x128xf32, #tpu.memory_space<vmem>> -> memref<400x128xf32, #tpu.memory_space<vmem>>
      %dma_wait3A_216 = arith.constant 0 : i32
      %dma_wait3A_217 = arith.constant 0 : i32
      %dma_wait3A_218 = tpu.memref_slice %arg4[%dma_wait3A_216, %dma_wait3A_217] : memref<3276800x128xf32, #tpu.memory_space<hbm>> -> memref<400x128xf32, #tpu.memory_space<hbm>>
      tpu.wait_dma2 semaphore(%arg7 : memref<!tpu.dma_semaphore, #tpu.memory_space<semaphore_mem>>) src(%dma_wait3A_218 : memref<400x128xf32, #tpu.memory_space<hbm>>) dst(%dma_wait3A_215 : memref<400x128xf32, #tpu.memory_space<vmem>>)
      %sub3A_219 = arith.constant 1 : i32
      %sub3A_220 = arith.subi %add3A_203, %sub3A_219 : i32
      %mul3A_221 = arith.constant 400 : i32
      %mul3A_222 = arith.muli %sub3A_220, %mul3A_221 : i32
      %add3A_223 = arith.addi %mul3A_2, %mul3A_222 : i32
      %dma_start3A_224 = arith.constant 0 : i32
      %dma_start3A_225 = arith.constant 0 : i32
      %dma_start3A_226 = arith.constant 0 : i32
      %dma_start3A_227 = tpu.memref_slice %arg6[%dma_start3A_224, %dma_start3A_225, %dma_start3A_226] : memref<2x400x128xf32, #tpu.memory_space<vmem>> -> memref<1x400x128xf32, #tpu.memory_space<vmem>>
      %dma_start3A_228 = tpu.memref_squeeze %dma_start3A_227 : memref<1x400x128xf32, #tpu.memory_space<vmem>> -> memref<400x128xf32, #tpu.memory_space<vmem>>
      %dma_start3A_229 = arith.constant 0 : i32
      %dma_start3A_230 = tpu.memref_slice %arg4[%add3A_223, %dma_start3A_229] : memref<3276800x128xf32, #tpu.memory_space<hbm>> -> memref<400x128xf32, #tpu.memory_space<hbm>>
      %dma_start3A_231 = arith.constant 0 : i32
      %dma_start3A_232 = tpu.memref_slice %arg4[%add3A_223, %dma_start3A_231] : memref<3276800x128xf32, #tpu.memory_space<hbm>> -> memref<400x128xf32, #tpu.memory_space<hbm>>
      %dma_start3A_233 = arith.constant 0 : i32
      %dma_start3A_234 = arith.constant 0 : i32
      %dma_start3A_235 = tpu.memref_slice %arg6[%dma_start3A_224, %dma_start3A_233, %dma_start3A_234] : memref<2x400x128xf32, #tpu.memory_space<vmem>> -> memref<1x400x128xf32, #tpu.memory_space<vmem>>
      %dma_start3A_236 = tpu.memref_squeeze %dma_start3A_235 : memref<1x400x128xf32, #tpu.memory_space<vmem>> -> memref<400x128xf32, #tpu.memory_space<vmem>>
      tpu.enqueue_dma source(%dma_start3A_236 : memref<400x128xf32, #tpu.memory_space<vmem>>) target(%dma_start3A_232 : memref<400x128xf32, #tpu.memory_space<hbm>>) target_semaphore(%arg9 : memref<!tpu.dma_semaphore, #tpu.memory_space<semaphore_mem>>)
      %dma_wait3A_237 = arith.constant 1 : i32
      %dma_wait3A_238 = arith.constant 0 : i32
      %dma_wait3A_239 = arith.constant 0 : i32
      %dma_wait3A_240 = tpu.memref_slice %arg6[%dma_wait3A_237, %dma_wait3A_238, %dma_wait3A_239] : memref<2x400x128xf32, #tpu.memory_space<vmem>> -> memref<1x400x128xf32, #tpu.memory_space<vmem>>
      %dma_wait3A_241 = tpu.memref_squeeze %dma_wait3A_240 : memref<1x400x128xf32, #tpu.memory_space<vmem>> -> memref<400x128xf32, #tpu.memory_space<vmem>>
      %dma_wait3A_242 = arith.constant 0 : i32
      %dma_wait3A_243 = arith.constant 0 : i32
      %dma_wait3A_244 = tpu.memref_slice %arg4[%dma_wait3A_242, %dma_wait3A_243] : memref<3276800x128xf32, #tpu.memory_space<hbm>> -> memref<400x128xf32, #tpu.memory_space<hbm>>
      %dma_wait3A_245 = arith.constant 0 : i32
      %dma_wait3A_246 = arith.constant 0 : i32
      %dma_wait3A_247 = tpu.memref_slice %arg4[%dma_wait3A_245, %dma_wait3A_246] : memref<3276800x128xf32, #tpu.memory_space<hbm>> -> memref<400x128xf32, #tpu.memory_space<hbm>>
      %dma_wait3A_248 = arith.constant 0 : i32
      %dma_wait3A_249 = arith.constant 0 : i32
      %dma_wait3A_250 = tpu.memref_slice %arg6[%dma_wait3A_237, %dma_wait3A_248, %dma_wait3A_249] : memref<2x400x128xf32, #tpu.memory_space<vmem>> -> memref<1x400x128xf32, #tpu.memory_space<vmem>>
      %dma_wait3A_251 = tpu.memref_squeeze %dma_wait3A_250 : memref<1x400x128xf32, #tpu.memory_space<vmem>> -> memref<400x128xf32, #tpu.memory_space<vmem>>
      tpu.wait_dma2 semaphore(%arg10 : memref<!tpu.dma_semaphore, #tpu.memory_space<semaphore_mem>>) src(%dma_wait3A_251 : memref<400x128xf32, #tpu.memory_space<vmem>>) dst(%dma_wait3A_247 : memref<400x128xf32, #tpu.memory_space<hbm>>)
      %rem3A_252 = arith.constant 16 : i32
      %rem3A_253 = arith.remsi %add3A_203, %rem3A_252 : i32
      %mul3A_254 = arith.constant 400 : i32
      %mul3A_255 = arith.muli %rem3A_253, %mul3A_254 : i32
      %dma_start3A_256 = arith.constant 1 : i32
      %dma_start3A_257 = arith.constant 0 : i32
      %dma_start3A_258 = arith.constant 0 : i32
      %dma_start3A_259 = tpu.memref_slice %arg6[%dma_start3A_256, %dma_start3A_257, %dma_start3A_258] : memref<2x400x128xf32, #tpu.memory_space<vmem>> -> memref<1x400x128xf32, #tpu.memory_space<vmem>>
      %dma_start3A_260 = tpu.memref_squeeze %dma_start3A_259 : memref<1x400x128xf32, #tpu.memory_space<vmem>> -> memref<400x128xf32, #tpu.memory_space<vmem>>
      %dma_start3A_261 = tpu.memref_slice %arg5[%mul3A_255] : memref<6400xi32, #tpu.memory_space<vmem>> -> memref<400xi32, #tpu.memory_space<vmem>>
      %dma_start3A_262 = arith.constant 0 : i32
      %dma_start3A_263 = arith.constant 0 : i32
      %dma_start3A_264 = tpu.memref_slice %arg2[%dma_start3A_262, %dma_start3A_263] : memref<65536x128xf32, #tpu.memory_space<hbm>> -> memref<65536x128xf32, #tpu.memory_space<hbm>>
      tpu.enqueue_indirect_dma source(%dma_start3A_264 : memref<65536x128xf32, #tpu.memory_space<hbm>>) target(%dma_start3A_260 : memref<400x128xf32, #tpu.memory_space<vmem>>) offsets(%dma_start3A_261 : memref<400xi32, #tpu.memory_space<vmem>>) semaphore(%arg8 : memref<!tpu.dma_semaphore, #tpu.memory_space<semaphore_mem>>)
      %scan3A_265 = arith.constant 0 : i32
      scf.yield %scan3A_265 : i32
    }
    %scan3A_65 = arith.constant 127 : i32
    %dma_wait3A_66 = arith.constant 1 : i32
    %dma_wait3A_67 = arith.constant 0 : i32
    %dma_wait3A_68 = arith.constant 0 : i32
    %dma_wait3A_69 = tpu.memref_slice %arg6[%dma_wait3A_66, %dma_wait3A_67, %dma_wait3A_68] : memref<2x400x128xf32, #tpu.memory_space<vmem>> -> memref<1x400x128xf32, #tpu.memory_space<vmem>>
    %dma_wait3A_70 = tpu.memref_squeeze %dma_wait3A_69 : memref<1x400x128xf32, #tpu.memory_space<vmem>> -> memref<400x128xf32, #tpu.memory_space<vmem>>
    %dma_wait3A_71 = arith.constant 0 : i32
    %dma_wait3A_72 = arith.constant 0 : i32
    %dma_wait3A_73 = tpu.memref_slice %arg4[%dma_wait3A_71, %dma_wait3A_72] : memref<3276800x128xf32, #tpu.memory_space<hbm>> -> memref<400x128xf32, #tpu.memory_space<hbm>>
    %dma_wait3A_74 = arith.constant 0 : i32
    %dma_wait3A_75 = arith.constant 0 : i32
    %dma_wait3A_76 = tpu.memref_slice %arg6[%dma_wait3A_66, %dma_wait3A_74, %dma_wait3A_75] : memref<2x400x128xf32, #tpu.memory_space<vmem>> -> memref<1x400x128xf32, #tpu.memory_space<vmem>>
    %dma_wait3A_77 = tpu.memref_squeeze %dma_wait3A_76 : memref<1x400x128xf32, #tpu.memory_space<vmem>> -> memref<400x128xf32, #tpu.memory_space<vmem>>
    %dma_wait3A_78 = arith.constant 0 : i32
    %dma_wait3A_79 = arith.constant 0 : i32
    %dma_wait3A_80 = tpu.memref_slice %arg4[%dma_wait3A_78, %dma_wait3A_79] : memref<3276800x128xf32, #tpu.memory_space<hbm>> -> memref<400x128xf32, #tpu.memory_space<hbm>>
    tpu.wait_dma2 semaphore(%arg8 : memref<!tpu.dma_semaphore, #tpu.memory_space<semaphore_mem>>) src(%dma_wait3A_80 : memref<400x128xf32, #tpu.memory_space<hbm>>) dst(%dma_wait3A_77 : memref<400x128xf32, #tpu.memory_space<vmem>>)
    %add3A_81 = arith.constant 102000 : i32
    %add3A_82 = arith.addi %mul3A_2, %add3A_81 : i32
    %dma_start3A_83 = arith.constant 1 : i32
    %dma_start3A_84 = arith.constant 0 : i32
    %dma_start3A_85 = arith.constant 0 : i32
    %dma_start3A_86 = tpu.memref_slice %arg6[%dma_start3A_83, %dma_start3A_84, %dma_start3A_85] : memref<2x400x128xf32, #tpu.memory_space<vmem>> -> memref<1x400x128xf32, #tpu.memory_space<vmem>>
    %dma_start3A_87 = tpu.memref_squeeze %dma_start3A_86 : memref<1x400x128xf32, #tpu.memory_space<vmem>> -> memref<400x128xf32, #tpu.memory_space<vmem>>
    %dma_start3A_88 = arith.constant 0 : i32
    %dma_start3A_89 = tpu.memref_slice %arg4[%add3A_82, %dma_start3A_88] : memref<3276800x128xf32, #tpu.memory_space<hbm>> -> memref<400x128xf32, #tpu.memory_space<hbm>>
    %dma_start3A_90 = arith.constant 0 : i32
    %dma_start3A_91 = tpu.memref_slice %arg4[%add3A_82, %dma_start3A_90] : memref<3276800x128xf32, #tpu.memory_space<hbm>> -> memref<400x128xf32, #tpu.memory_space<hbm>>
    %dma_start3A_92 = arith.constant 0 : i32
    %dma_start3A_93 = arith.constant 0 : i32
    %dma_start3A_94 = tpu.memref_slice %arg6[%dma_start3A_83, %dma_start3A_92, %dma_start3A_93] : memref<2x400x128xf32, #tpu.memory_space<vmem>> -> memref<1x400x128xf32, #tpu.memory_space<vmem>>
    %dma_start3A_95 = tpu.memref_squeeze %dma_start3A_94 : memref<1x400x128xf32, #tpu.memory_space<vmem>> -> memref<400x128xf32, #tpu.memory_space<vmem>>
    tpu.enqueue_dma source(%dma_start3A_95 : memref<400x128xf32, #tpu.memory_space<vmem>>) target(%dma_start3A_91 : memref<400x128xf32, #tpu.memory_space<hbm>>) target_semaphore(%arg10 : memref<!tpu.dma_semaphore, #tpu.memory_space<semaphore_mem>>)
    %dma_wait3A_96 = arith.constant 0 : i32
    %dma_wait3A_97 = arith.constant 0 : i32
    %dma_wait3A_98 = arith.constant 0 : i32
    %dma_wait3A_99 = tpu.memref_slice %arg6[%dma_wait3A_96, %dma_wait3A_97, %dma_wait3A_98] : memref<2x400x128xf32, #tpu.memory_space<vmem>> -> memref<1x400x128xf32, #tpu.memory_space<vmem>>
    %dma_wait3A_100 = tpu.memref_squeeze %dma_wait3A_99 : memref<1x400x128xf32, #tpu.memory_space<vmem>> -> memref<400x128xf32, #tpu.memory_space<vmem>>
    %dma_wait3A_101 = arith.constant 0 : i32
    %dma_wait3A_102 = arith.constant 0 : i32
    %dma_wait3A_103 = tpu.memref_slice %arg4[%dma_wait3A_101, %dma_wait3A_102] : memref<3276800x128xf32, #tpu.memory_space<hbm>> -> memref<400x128xf32, #tpu.memory_space<hbm>>
    %dma_wait3A_104 = arith.constant 0 : i32
    %dma_wait3A_105 = arith.constant 0 : i32
    %dma_wait3A_106 = tpu.memref_slice %arg4[%dma_wait3A_104, %dma_wait3A_105] : memref<3276800x128xf32, #tpu.memory_space<hbm>> -> memref<400x128xf32, #tpu.memory_space<hbm>>
    %dma_wait3A_107 = arith.constant 0 : i32
    %dma_wait3A_108 = arith.constant 0 : i32
    %dma_wait3A_109 = tpu.memref_slice %arg6[%dma_wait3A_96, %dma_wait3A_107, %dma_wait3A_108] : memref<2x400x128xf32, #tpu.memory_space<vmem>> -> memref<1x400x128xf32, #tpu.memory_space<vmem>>
    %dma_wait3A_110 = tpu.memref_squeeze %dma_wait3A_109 : memref<1x400x128xf32, #tpu.memory_space<vmem>> -> memref<400x128xf32, #tpu.memory_space<vmem>>
    tpu.wait_dma2 semaphore(%arg9 : memref<!tpu.dma_semaphore, #tpu.memory_space<semaphore_mem>>) src(%dma_wait3A_110 : memref<400x128xf32, #tpu.memory_space<vmem>>) dst(%dma_wait3A_106 : memref<400x128xf32, #tpu.memory_space<hbm>>)
    %dma_wait3A_111 = arith.constant 1 : i32
    %dma_wait3A_112 = arith.constant 0 : i32
    %dma_wait3A_113 = arith.constant 0 : i32
    %dma_wait3A_114 = tpu.memref_slice %arg6[%dma_wait3A_111, %dma_wait3A_112, %dma_wait3A_113] : memref<2x400x128xf32, #tpu.memory_space<vmem>> -> memref<1x400x128xf32, #tpu.memory_space<vmem>>
    %dma_wait3A_115 = tpu.memref_squeeze %dma_wait3A_114 : memref<1x400x128xf32, #tpu.memory_space<vmem>> -> memref<400x128xf32, #tpu.memory_space<vmem>>
    %dma_wait3A_116 = arith.constant 0 : i32
    %dma_wait3A_117 = arith.constant 0 : i32
    %dma_wait3A_118 = tpu.memref_slice %arg4[%dma_wait3A_116, %dma_wait3A_117] : memref<3276800x128xf32, #tpu.memory_space<hbm>> -> memref<400x128xf32, #tpu.memory_space<hbm>>
    %dma_wait3A_119 = arith.constant 0 : i32
    %dma_wait3A_120 = arith.constant 0 : i32
    %dma_wait3A_121 = tpu.memref_slice %arg4[%dma_wait3A_119, %dma_wait3A_120] : memref<3276800x128xf32, #tpu.memory_space<hbm>> -> memref<400x128xf32, #tpu.memory_space<hbm>>
    %dma_wait3A_122 = arith.constant 0 : i32
    %dma_wait3A_123 = arith.constant 0 : i32
    %dma_wait3A_124 = tpu.memref_slice %arg6[%dma_wait3A_111, %dma_wait3A_122, %dma_wait3A_123] : memref<2x400x128xf32, #tpu.memory_space<vmem>> -> memref<1x400x128xf32, #tpu.memory_space<vmem>>
    %dma_wait3A_125 = tpu.memref_squeeze %dma_wait3A_124 : memref<1x400x128xf32, #tpu.memory_space<vmem>> -> memref<400x128xf32, #tpu.memory_space<vmem>>
    tpu.wait_dma2 semaphore(%arg10 : memref<!tpu.dma_semaphore, #tpu.memory_space<semaphore_mem>>) src(%dma_wait3A_125 : memref<400x128xf32, #tpu.memory_space<vmem>>) dst(%dma_wait3A_121 : memref<400x128xf32, #tpu.memory_space<hbm>>)
    return
  }
}

</mosaic_0001>

<sc_bundles>
// kernel: _lookup.3.cloned.1.call-start
scs
__scs_entry_jumppad:
0x0: {  	(pc) =	sbr.rel $0x88, $3  }
0x1: {  	(tag) =	ssettag $0x0;
	lr =	simm.s32 $0x1  }
0x2: {  	[smem:$0x3F9F] =	sst lr;
	_ =	strace $0xD0000000  }
0x3: {  	_ = 	snop  }
0x4: {  	_ = 	snop  }
0x5: {  	_ = 	snop  }
0x6: {  	_ = 	snop  }
0x7: {  	_ = 	snop  }
__scs_overlays_trampoline_lowered:
0x8: {  	[smem:$0x3FAE] =	sst s0  }
0x9: {  	[smem:$0x3FAF] =	sst s1  }
0xa: {  	[smem:$0x3FB0] =	sst s2  }
0xb: {  	[smem:$0x3FB1] =	sst s3  }
0xc: {  	[smem:$0x3FB2] =	sst s4  }
0xd: {  	[smem:$0x3FB3] =	sst s5  }
0xe: {  	[smem:$0x3FB4] =	sst s6  }
0xf: {  	[smem:$0x3FB5] =	sst s7  }
0x10: {  	[smem:$0x3FB6] =	sst s8  }
0x11: {  	[smem:$0x3FB7] =	sst s9;
	s0 =	simm.s32 @!p0 $0x0  }
0x12: {  	s1 =	sld [smem:$0x3F9D];
	s0 =	simm.s32 @p0 $0x1  }
0x13: {  	[smem:$0x3FB8] =	sst s0;
	s0 =	simm.s32 @!p1 $0x0  }
0x14: {  	s2 =	sld [smem:$0x3F9C];
	s0 =	simm.s32 @p1 $0x1  }
0x15: {  	[smem:$0x3FB9] =	sst s0;
	s0 =	simm.s32 @!p2 $0x0  }
0x16: {  	s3 =	sld [smem:$0x3FDB];
	s0 =	simm.s32 @p2 $0x1  }
0x17: {  	s4 =	simm.s32 $0x1BF5;
	[smem:$0x3FBB] =	sst s0  }
0x18: {  	s0 =	sld [smem:$0x3F9E];
	_ =	swait.ge [sflag:s4], $0x0  }
0x19: {  	s7 =	sld [smem:$0x3F9F]  }
0x1a: {  	s8 =	sadd.s32 $0xFFFFE003, lr  }
0x1b: {  	s9 =	sadd.s32 $0xFFFFFEF7, lr;
	s5 =	simm.s32 $0xFFFFFFFF;
	p2 =	slt.u32 s8, $0xFFFFF086  }
0x1c: {  	p1 =	slt.u32 s9, $0xF7A;
	s5 =	simm.s32 @!p2 $0x0  }
0x1d: {  	s5 =	simm.s32 @p1 $0x1;
	p0 =	seq.s32 s7, s2  }
0x1e: {  	s7 =	smul.u32 @!p0 $0xF7A, s2;
	p2 =	seq.s32 @!p0 s5, $0x0  }
0x1f: {  	s9 =	smul.u32 $0xF7A, s1;
	s8 =	simm.s32 @!p0 $0x1BF5;
	p2 =	por !p2, p0  }
0x20: {  	[sflag:s8] =	ssyncset.s32 @!p0 $0xFFFFF086;
	s6 =	sadd.s32 @!p0 s3, s7;
	s7 =	simm.s32 @!p0 $0x108  }
0x21: {  	s3 =	sadd.s32 s3, s9;
	s6 =	sadd.s32 @!p0 $0x88, s6;
	s7 =	simm.s32 @p2 $0x1082  }
0x22: {  	[simem:s7], [sflag:s8] =	dma.local @!p0 [hbm:s6], $0xF7A  }
0x23: {  	s9 =	sor.u32 $0xD0000000, s2;
	s6 =	simm.s32 $0x108;
	_ =	swait.ge @!p0 [sflag:s8], $0x0  }
0x24: {  	s3 =	sadd.s32 $0x88, s3;
	s6 =	simm.s32 @!p1 $0x1082;
	[sflag:s4] =	ssyncset.s32 $0xFFFFF086  }
0x25: {  	[simem:s6], [sflag:s4] =	dma.local [hbm:s3], $0xF7A  }
0x26: {  	[smem:$0x3F9F] =	sst s1;
	(tag) =	ssettag s2;
	_ =	strace s9  }
0x27: {  	s1 =	sld [smem:$0x3FAF]  }
0x28: {  	s2 =	sld [smem:$0x3FB0]  }
0x29: {  	s4 =	sld [smem:$0x3FB2]  }
0x2a: {  	p0 =	seq.s32 s5, $0x0;
	s5 =	sld [smem:$0x3FB3]  }
0x2b: {  	s6 =	sld [smem:$0x3FB4]  }
0x2c: {  	s7 =	sld [smem:$0x3FB5]  }
0x2d: {  	s3 =	simm.s32 $0x108;
	s8 =	sld [smem:$0x3FB6]  }
0x2e: {  	s3 =	simm.s32 @!p0 $0x1082;
	s9 =	sld [smem:$0x3FB7]  }
0x2f: {  	lr =	sadd.s32 s0, s3;
	s0 =	sld [smem:$0x3FAE]  }
0x30: {  	s3 =	sld [smem:$0x3FB1]  }
0x31: {  	[smem:$0x3FBA] =	sst s10  }
0x32: {  	s10 =	sld [smem:$0x3FB8];
	_ =	sdelay $0x3  }
0x33: {  	p0 =	seq.s32 s10, $0x1;
	s10 =	sld [smem:$0x3FBA];
	_ =	sdelay $0x3  }
0x34: {  	[smem:$0x3FBA] =	sst s10  }
0x35: {  	s10 =	sld [smem:$0x3FB9];
	_ =	sdelay $0x3  }
0x36: {  	p1 =	seq.s32 s10, $0x1;
	s10 =	sld [smem:$0x3FBA];
	_ =	sdelay $0x3  }
0x37: {  	[smem:$0x3FBA] =	sst s10  }
0x38: {  	s10 =	sld [smem:$0x3FBB]  }
0x39: {  	_ = 	snop;
	(pc) =	sbr.ind lr, $3  }
0x3a: {  	_ = 	snop  }
0x3b: {  	_ = 	snop  }
0x3c: {  	p2 =	seq.s32 s10, $0x1;
	s10 =	sld [smem:$0x3FBA]  }
0x3d: {  	_ =	shalt  }
0x3e: {  	_ =	shalt  }
0x3f: {  	_ =	shalt  }
0x40: {  	_ =	shalt  }
0x41: {  	_ =	shalt  }
0x42: {  	_ =	shalt  }
0x43: {  	_ =	shalt  }
0x44: {  	_ =	shalt  }
0x45: {  	_ =	shalt  }
0x46: {  	_ =	shalt  }
0x47: {  	_ =	shalt  }
0x48: {  	_ =	shalt  }
0x49: {  	_ =	shalt  }
0x4a: {  	_ =	shalt  }
0x4b: {  	_ =	shalt  }
0x4c: {  	_ =	shalt  }
0x4d: {  	_ =	shalt  }
0x4e: {  	_ =	shalt  }
0x4f: {  	_ =	shalt  }
0x50: {  	_ =	shalt  }
0x51: {  	_ =	shalt  }
0x52: {  	_ =	shalt  }
0x53: {  	_ =	shalt  }
0x54: {  	_ =	shalt  }
0x55: {  	_ =	shalt  }
0x56: {  	_ =	shalt  }
0x57: {  	_ =	shalt  }
0x58: {  	_ =	shalt  }
0x59: {  	_ =	shalt  }
0x5a: {  	_ =	shalt  }
0x5b: {  	_ =	shalt  }
0x5c: {  	_ =	shalt  }
0x5d: {  	_ =	shalt  }
0x5e: {  	_ =	shalt  }
0x5f: {  	_ =	shalt  }
0x60: {  	_ =	shalt  }
0x61: {  	_ =	shalt  }
0x62: {  	_ =	shalt  }
0x63: {  	_ =	shalt  }
0x64: {  	_ =	shalt  }
0x65: {  	_ =	shalt  }
0x66: {  	_ =	shalt  }
0x67: {  	_ =	shalt  }
0x68: {  	_ =	shalt  }
0x69: {  	_ =	shalt  }
0x6a: {  	_ =	shalt  }
0x6b: {  	_ =	shalt  }
0x6c: {  	_ =	shalt  }
0x6d: {  	_ =	shalt  }
0x6e: {  	_ =	shalt  }
0x6f: {  	_ =	shalt  }
0x70: {  	_ =	shalt  }
0x71: {  	_ =	shalt  }
0x72: {  	_ =	shalt  }
0x73: {  	_ =	shalt  }
0x74: {  	_ =	shalt  }
0x75: {  	_ =	shalt  }
0x76: {  	_ =	shalt  }
0x77: {  	_ =	shalt  }
0x78: {  	_ =	shalt  }
0x79: {  	_ =	shalt  }
0x7a: {  	_ =	shalt  }
0x7b: {  	_ =	shalt  }
0x7c: {  	_ =	shalt  }
0x7d: {  	_ =	shalt  }
0x7e: {  	_ =	shalt  }
0x7f: {  	_ =	shalt  }
0x80: {  	_ =	shalt  }
0x81: {  	_ =	shalt  }
0x82: {  	_ =	shalt  }
0x83: {  	_ =	shalt  }
0x84: {  	_ =	shalt  }
0x85: {  	_ =	shalt  }
0x86: {  	_ =	shalt  }
0x87: {  	_ =	shalt  }
.Lfunc_end0:
.L_simem_size_0:
called_computation_lowered:
.L_overlay_start_0:
0x88: {  	s2 =	sld [smem:$0x3FD9]  }
0x89: {  	s3 =	sld [smem:$0x3FFE];
	_ =	sdelay $0x1  }
0x8a: {  	s1 =	srdreg.scid  }
0x8b: {  	s0 =	sand.u32 $0x1, s1  }
0x8c: {  	s18 =	sshll.u32 s0, $0xA;
	s2 =	sadd.s32 s3, s2  }
0x8d: {  	s2 =	sadd.s32 s2, s18  }
0x8e: {  	[smem:$0x3FC6] =	sst s2  }
0x8f: {  	_ = 	snop  }
0x90: {  	s2 =	sld [smem:$0x3FC9]  }
0x91: {  	s19 =	sld [smem:$0x3FC8]  }
0x92: {  	s4 =	sld [smem:$0x3FD0];
	(tm) =	ssettm $0x1  }
0x93: {  	s5 =	sld [smem:$0x3FFB];
	_ =	sdelay $0x3  }
0x94: {  	_ =	strace s5  }
0x95: {  	s5 =	sld [smem:$0x3FFC];
	_ =	sdelay $0x3  }
0x96: {  	_ =	strace s5  }
0x97: {  	s5 =	sld [smem:$0x3FFD];
	_ =	sdelay $0x3  }
0x98: {  	_ =	strace s5  }
0x99: {  	_ =	strace $0x8FFFFFFF  }
0x9a: {  	s20 =	sld [smem:$0x3FDB];
	_ =	sdelay $0x1  }
0x9b: {  	s6 =	simm.s32 $_scs_section_size  }
0x9c: {  	s7 =	simm.s32 $_size__tile_overlayer_lowered;
	s8 =	simm.s32 $_tile_overlayer_lowered  }
0x9d: {  	s23 =	simm.s32 $0x1BFF;
	s22 =	sshll.u32 s8, $0x1;
	s5 =	sadd.s32 s6, s20  }
0x9e: {  	s9 =	simm.s32 $0x0;
	s21 =	sshll.u32 s7, $0x1;
	s7 =	sadd.s32 s22, s5  }
0x9f: {  	[timem:s9], [sflag:s23] =	dma.local [hbm:s7], s21  }
0xa0: {  	_ =	swait.ge [sflag:s23], s21  }
0xa1: {  	s6 =	ssub.s32 $0x0, s21;
	[sflag:s23] =	ssyncset.done $0x0  }
0xa2: {  	[sflag:s23] =	ssyncadd.s32 s6;
	_ =	sdelay $0x1  }
0xa3: {  	s24 =	simm.s32 $0x1B8B  }
0xa4: {  	_ =	swait.ge [sflag:s24], $0x1  }
0xa5: {  	[sflag:s24] =	ssyncset.done $0x0  }
0xa6: {  	s25 =	simm.s32 $0x1B8E;
	[sflag:s24] =	ssyncadd.s32 $0xFFFFFFFF  }
0xa7: {  	s26 =	simm.s32 $execute0_lowered;
	[smem:$0x3FD2] =	sst s25  }
0xa8: {  	s6 =	sshll.u32 s26, $0x1;
	_ =	strace $0x80000046;
	[dreg:$0x1] =	wrdreg $0xFFFFFFFF  }
0xa9: {  	s28 =	simm.s32 $_size_execute0_lowered;
	s5 =	sadd.s32 s5, s6;
	[dreg:$0x0] =	wrdreg $0x0  }
0xaa: {  	s6 =	sshll.u32 s28, $0x1;
	[dreg:$0x2] =	wrdreg s5  }
0xab: {  	[dreg:$0x3] =	wrdreg s6  }
0xac: {  	[dreg:$0x4] =	wrdreg $0xC0  }
0xad: {  	_ =	task [dreg:s9], $0x5FFFF  }
0xae: {  	[dreg:$0x1] =	wrdreg $0xFFFFFFFF  }
0xaf: {  	[dreg:$0x0] =	wrdreg $0x60  }
0xb0: {  	[dreg:$0x2] =	wrdreg s2  }
0xb1: {  	[dreg:$0x3] =	wrdreg s19  }
0xb2: {  	[dreg:$0x4] =	wrdreg s4  }
0xb3: {  	[dreg:$0x5] =	wrdreg $0x9  }
0xb4: {  	_ =	task.clear_ibuf [dreg:s9], $0x6FFFF;
	_ =	strace $0x90000046  }
0xb5: {  	s29 =	simm.s32 $0x9;
	_ =	strace $0x80000048  }
0xb6: {  	_ =	swait.ge [sflag:s29], $0x1  }
0xb7: {  	[sflag:s29] =	ssyncadd.s32 $0xFFFFFFFF  }
0xb8: {  	_ =	strace $0x90000048  }
0xb9: {  	_ =	sfence  }
0xba: {  	s30 =	sld [smem:$0x0];
	_ =	sdelay $0x2  }
0xbb: {  	s31 =	sshll.u32 s1, $0xD;
	s1 =	sshrl.u32 s1, $0x2  }
0xbc: {  	s3 =	sand.u32 $0x4000, s31;
	s1 =	sadd.s32 s1, s30  }
0xbd: {  	s0 =	sor.u32 s3, s0;
	s1 =	sshll.u32 s1, $0x11  }
0xbe: {  	s0 =	sor.u32 s1, s0  }
0xbf: {  	s0 =	sadd.s32 $0x8F2B, s0  }
0xc0: {  	[sflag:s0] =	ssyncadd.remote.s32 $0x1  }
0xc1: {  	_ =	sfence.sel $0xFFFF  }
0xc2: {  	[dreg:$0x0] =	wrdreg $0xFFFFFFFF;
	(pc) =	sbr.abs _section_cstart, $3  }
0xc3: {  	[dreg:$0x1] =	wrdreg $0xFFFFFFFF  }
0xc4: {  	_ =	task.clear_ibuf [dreg:s9], $0x2FFFF;
	_ =	strace $0x9FFFFFFF  }
0xc5: {  	(tm) =	ssettm $0x7FFFFFFF  }
tec
execute0_lowered:
.L_overlay_start_1:
0x0: {  	(tag) =	ssettag $0x1  }
0x1: {  	s1 =	rddreg [dreg:$0x0]  }
0x2: {  	s2 =	srdreg.scid;
	s3 =	rddreg [dreg:$0x1]  }
0x3: {  	s0 =	stileid.u32;
	s8 =	rddreg [dreg:$0x2];
	s5 =	simm.s32 $0x0  }
0x4: {  	s14 =	simm.s32 $0x1;
	s15 =	simm.s32 $0xE100;
	s16 =	simm.s32 $0x2  }
0x5: {  	s17 =	simm.s32 $0x3;
	s18 =	simm.s32 $0x4;
	s19 =	simm.s32 $0x0  }
0x6: {  	s6 =	sand.u32 $0x1, s2;
	s28 =	sshll.u32 s0, $0x1;
	s12 =	smul.u32 $0x320000, s0  }
0x7: {  	s2 =	rddreg [dreg:$0x3];
	s7 =	sor.u32 s6, s28;
	s13 =	smul.u32 $0x190000, s6  }
0x8: {  	[smem:$0x7FF] =	sst s5;
	s10 =	ssub.s32 $0x2, s6;
	s4 =	smul.u32 $0x19000, s7  }
0x9: {  	_ =	strace $0x80000047;
	s9 =	smul.u32 $0x190000, s7;
	s11 =	sshrl.u32 s10, $0x1  }
0xa: {  	s7 =	smul.u32 $0xC80000, s7;
	s12 =	sadd.s32 s12, s8;
	s10 =	ssub.s32 s10, s11  }
0xb: {  	s31 =	sadd.s32 s13, s12;
	s11 =	simm.s32 $0x5;
	s12 =	simm.s32 $0x190  }
0xc: {  	s13 =	simm.s32 $0x1900;
	s29 =	sshrl.u32 s4, $0x3;
	s30 =	sshrl.u32 s7, $0x3  }
0xd: {  	s7 =	sadd.s32 s8, s9;
	s9 =	smax.u32 s10, $0x1;
	s8 =	sadd.s32 s8, s30  }
0xe: {  	s10 =	sadd.s32 $0x1900, s31;
	s6 =	sadd.s32 s3, s29;
	s8 =	sadd.s32 $0x18E700, s8  }
.LBB2_1:
0xf: {  	[tilespmem:s5], [sflag:$0x5] =	stream.linear.gather [hbm4b:s6+s5], $0x1900, $0x38;
	[tilespmem:$0x1A900] =	vst v63  }
0x10: {  	_ =	swait.ge [sflag:s11], $0x1900  }
0x11: {  	[sflag:s11] =	ssyncset.done $0x0  }
0x12: {  	s20 =	simm.s32 $0x2;
	[sflag:s11] =	ssyncadd.s32 $0xFFFFE700  }
0x13: {  	[tilespmem:s13], [sflag:$0x1] =	stream.indirect.gather [hbm4b:s1+s12], $0x80, s5, s12, $0xb8;
	[tilespmem:$0x1A900] =	vst v63  }
0x14: {  	s21 =	sand.u32 $0xE, s20;
	_ =	swait.ge [sflag:s14], $0xC800  }
0x15: {  	p0 =	sne.s32 s21, $0x0;
	[sflag:s14] =	ssyncset.done $0x0  }
0x16: {  	s20 =	simm.s32 @!p0 $0x0;
	[sflag:s14] =	ssyncadd.s32 $0xFFFF3800  }
0x17: {  	[hbm4b:s7+s5] =	stream.linear.scatter [tilespmem:s13], [sflag:$0x3], $0xC800, $0x38;
	[tilespmem:$0x1A900] =	vst v63  }
0x18: {  	s20 =	smul.u32 @!p0 $0x1900, s20  }
0x19: {  	[tilespmem:s15], [sflag:$0x2] =	stream.indirect.gather [hbm4b:s1+s12], $0x80, s12, s12, $0xb8;
	[tilespmem:$0x1A900] =	vst v63  }
0x1a: {  	_ =	swait.ge [sflag:s16], $0xC800  }
0x1b: {  	s20 =	sadd.s32 @!p0 s4, s20;
	[sflag:s16] =	ssyncset.done $0x0  }
0x1c: {  	s20 =	sshrl.u32 @!p0 s20, $0x3;
	[sflag:s16] =	ssyncadd.s32 $0xFFFF3800  }
0x1d: {  	[hbm4b:s10+s5] =	stream.linear.scatter [tilespmem:s15], [sflag:$0x4], $0xC800, $0x38;
	[tilespmem:$0x1A900] =	vst v63  }
0x1e: {  	s22 =	simm.s32 @!p0 $0x0;
	s23 =	simm.s32 @!p0 $0x5;
	s20 =	sadd.s32 @!p0 s3, s20  }
0x1f: {  	[tilespmem:s22], [sflag:$0x5] =	stream.linear.gather @!p0 [hbm4b:s20+s22], $0x1900, $0x38;
	[tilespmem:$0x1A900] =	vst v63  }
0x20: {  	_ =	swait.ge @!p0 [sflag:s23], $0x1900  }
0x21: {  	[sflag:s23] =	ssyncset.done @!p0 $0x0  }
0x22: {  	s25 =	sadd.s32 $0x1900, s10;
	[sflag:s23] =	ssyncadd.s32 @!p0 $0xFFFFE700  }
0x23: {  	s24 =	simm.s32 $0x7;
	s31 =	smul.u32 $0x640, s21;
	_ =	swait.ge [sflag:s17], $0xC800  }
0x24: {  	s28 =	simm.s32 $0x4;
	s29 =	sand.u32 $0xF, s17;
	[sflag:s17] =	ssyncset.done $0x0  }
0x25: {  	s22 =	sadd.s32 $0x3200, s10;
	s23 =	sshrl.u32 s31, $0x2;
	[sflag:s17] =	ssyncadd.s32 $0xFFFF3800  }
0x26: {  	[tilespmem:s13], [sflag:$0x1] =	stream.indirect.gather [hbm4b:s1+s12], $0x80, s23, s12, $0xb8;
	[tilespmem:$0x1A900] =	vst v63  }
0x27: {  	s20 =	simm.s32 $0x5;
	s21 =	sadd.s32 $0x1900, s22;
	_ =	swait.ge [sflag:s14], $0xC800  }
0x28: {  	s26 =	sadd.s32 $0x3200, s22;
	s23 =	sand.u32 $0xE, s28;
	[sflag:s14] =	ssyncset.done $0x0  }
.LBB2_2:
0x29: {  	p1 =	sne.s32 s23, $0x0;
	[sflag:s14] =	ssyncadd.s32 $0xFFFF3800  }
0x2a: {  	s30 =	smov.u32 s20;
	s20 =	smov.u32 s24;
	s24 =	sadd.s32 $0x2, s24  }
0x2b: {  	s29 =	smul.u32 $0x640, s29;
	p0 =	sne.s32 s24, $0x101;
	s28 =	sshrl.u32 @!p1 s28, $0x4  }
0x2c: {  	[hbm4b:s25+s5] =	stream.linear.scatter [tilespmem:s13], [sflag:$0x3], $0xC800, $0x38;
	[tilespmem:$0x1A900] =	vst v63  }
0x2d: {  	s31 =	sadd.s32 $0x1900, s26;
	s28 =	smul.u32 @!p1 $0x1900, s28;
	_ =	swait.ge [sflag:s18], $0xC800  }
0x2e: {  	s25 =	smov.u32 s21;
	s21 =	smov.u32 s31;
	[sflag:s18] =	ssyncset.done $0x0  }
0x2f: {  	s29 =	sshrl.u32 s29, $0x2;
	s28 =	sadd.s32 @!p1 s4, s28;
	[sflag:s18] =	ssyncadd.s32 $0xFFFF3800  }
0x30: {  	[tilespmem:s15], [sflag:$0x2] =	stream.indirect.gather [hbm4b:s1+s12], $0x80, s29, s12, $0xb8;
	[tilespmem:$0x1A900] =	vst v63  }
0x31: {  	s28 =	sshrl.u32 @!p1 s28, $0x3;
	_ =	swait.ge [sflag:s16], $0xC800  }
0x32: {  	s28 =	sadd.s32 @!p1 s3, s28;
	[sflag:s16] =	ssyncset.done $0x0  }
0x33: {  	[sflag:s16] =	ssyncadd.s32 $0xFFFF3800  }
0x34: {  	[hbm4b:s22+s5] =	stream.linear.scatter [tilespmem:s15], [sflag:$0x4], $0xC800, $0x38;
	[tilespmem:$0x1A900] =	vst v63  }
0x35: {  	s31 =	simm.s32 @!p1 $0x5;
	s29 =	simm.s32 @!p1 $0x0;
	s22 =	smov.u32 s26  }
0x36: {  	[tilespmem:s29], [sflag:$0x5] =	stream.linear.gather @!p1 [hbm4b:s28+s29], $0x1900, $0x38;
	[tilespmem:$0x1A900] =	vst v63  }
0x37: {  	_ =	swait.ge @!p1 [sflag:s31], $0x1900  }
0x38: {  	[sflag:s31] =	ssyncset.done @!p1 $0x0  }
0x39: {  	[sflag:s31] =	ssyncadd.s32 @!p1 $0xFFFFE700  }
0x3a: {  	s23 =	smul.u32 $0x640, s23;
	_ =	swait.ge [sflag:s17], $0xC800  }
.Ltmp0:
0x3b: {  	[sflag:s17] =	ssyncset.done $0x0;
	(pc) =	sbr.rel @p0 .LBB2_2-.Ltmp0, $4  }
0x3c: {  	s23 =	sshrl.u32 s23, $0x2;
	[sflag:s17] =	ssyncadd.s32 $0xFFFF3800  }
0x3d: {  	[tilespmem:s13], [sflag:$0x1] =	stream.indirect.gather [hbm4b:s1+s12], $0x80, s23, s12, $0xb8;
	[tilespmem:$0x1A900] =	vst v63  }
0x3e: {  	s28 =	sadd.s32 $0xFFFFFFFF, s20;
	s29 =	sand.u32 $0xF, s30;
	_ =	swait.ge [sflag:s14], $0xC800  }
0x3f: {  	s26 =	sadd.s32 $0x3200, s26;
	s23 =	sand.u32 $0xE, s28;
	[sflag:s14] =	ssyncset.done $0x0  }
0x40: {  	[sflag:s14] =	ssyncadd.s32 $0xFFFF3800  }
0x41: {  	[hbm4b:s25+s5] =	stream.linear.scatter [tilespmem:s13], [sflag:$0x3], $0xC800, $0x38;
	[tilespmem:$0x1A900] =	vst v63  }
0x42: {  	p0 =	sne.s32 s23, $0x0;
	s24 =	smul.u32 $0x640, s29;
	_ =	swait.ge [sflag:s18], $0xC800  }
0x43: {  	s25 =	sshrl.u32 @!p0 s28, $0x4;
	[sflag:s18] =	ssyncset.done $0x0  }
0x44: {  	s25 =	smul.u32 @!p0 $0x1900, s25;
	s24 =	sshrl.u32 s24, $0x2;
	[sflag:s18] =	ssyncadd.s32 $0xFFFF3800  }
0x45: {  	[tilespmem:s15], [sflag:$0x2] =	stream.indirect.gather [hbm4b:s1+s12], $0x80, s24, s12, $0xb8;
	[tilespmem:$0x1A900] =	vst v63  }
0x46: {  	_ =	swait.ge [sflag:s16], $0xC800  }
0x47: {  	s24 =	sadd.s32 @!p0 s4, s25;
	[sflag:s16] =	ssyncset.done $0x0  }
0x48: {  	s24 =	sshrl.u32 @!p0 s24, $0x3;
	[sflag:s16] =	ssyncadd.s32 $0xFFFF3800  }
0x49: {  	[hbm4b:s22+s5] =	stream.linear.scatter [tilespmem:s15], [sflag:$0x4], $0xC800, $0x38;
	[tilespmem:$0x1A900] =	vst v63  }
0x4a: {  	s25 =	simm.s32 @!p0 $0x5;
	s22 =	sadd.s32 @!p0 s3, s24;
	s24 =	simm.s32 @!p0 $0x0  }
0x4b: {  	[tilespmem:s24], [sflag:$0x5] =	stream.linear.gather @!p0 [hbm4b:s22+s24], $0x1900, $0x38;
	[tilespmem:$0x1A900] =	vst v63  }
0x4c: {  	_ =	swait.ge @!p0 [sflag:s25], $0x1900  }
0x4d: {  	[sflag:s25] =	ssyncset.done @!p0 $0x0  }
0x4e: {  	[sflag:s25] =	ssyncadd.s32 @!p0 $0xFFFFE700  }
0x4f: {  	s31 =	smul.u32 $0x640, s23;
	_ =	swait.ge [sflag:s17], $0xC800  }
0x50: {  	[sflag:s17] =	ssyncset.done $0x0  }
0x51: {  	s22 =	sshrl.u32 s31, $0x2;
	[sflag:s17] =	ssyncadd.s32 $0xFFFF3800  }
0x52: {  	[tilespmem:s13], [sflag:$0x1] =	stream.indirect.gather [hbm4b:s1+s12], $0x80, s22, s12, $0xb8;
	[tilespmem:$0x1A900] =	vst v63  }
0x53: {  	_ =	swait.ge [sflag:s14], $0xC800  }
0x54: {  	[sflag:s14] =	ssyncset.done $0x0  }
0x55: {  	s20 =	sand.u32 $0xF, s20;
	[sflag:s14] =	ssyncadd.s32 $0xFFFF3800  }
0x56: {  	[hbm4b:s21+s5] =	stream.linear.scatter [tilespmem:s13], [sflag:$0x3], $0xC800, $0x38;
	[tilespmem:$0x1A900] =	vst v63  }
0x57: {  	s20 =	smul.u32 $0x640, s20;
	_ =	swait.ge [sflag:s18], $0xC800  }
0x58: {  	[sflag:s18] =	ssyncset.done $0x0  }
0x59: {  	s20 =	sshrl.u32 s20, $0x2;
	[sflag:s18] =	ssyncadd.s32 $0xFFFF3800  }
0x5a: {  	[tilespmem:s15], [sflag:$0x2] =	stream.indirect.gather [hbm4b:s1+s12], $0x80, s20, s12, $0xb8;
	[tilespmem:$0x1A900] =	vst v63  }
0x5b: {  	_ =	swait.ge [sflag:s16], $0xC800  }
0x5c: {  	[sflag:s16] =	ssyncset.done $0x0  }
0x5d: {  	s19 =	sadd.s32 $0x1, s19;
	[sflag:s16] =	ssyncadd.s32 $0xFFFF3800  }
0x5e: {  	[hbm4b:s8+s5] =	stream.linear.scatter [tilespmem:s15], [sflag:$0x4], $0xC800, $0x38;
	[tilespmem:$0x1A900] =	vst v63  }
0x5f: {  	p0 =	sne.s32 s19, s9;
	_ =	swait.ge [sflag:s17], $0xC800  }
.Ltmp1:
0x60: {  	[sflag:s17] =	ssyncset.done $0x0;
	(pc) =	sbr.rel @p0 .LBB2_1-.Ltmp1, $4  }
0x61: {  	[sflag:s17] =	ssyncadd.s32 $0xFFFF3800  }
0x62: {  	_ =	swait.ge [sflag:s18], $0xC800  }
0x63: {  	[sflag:s18] =	ssyncset.done $0x0  }
0x64: {  	[sflag:s18] =	ssyncadd.s32 $0xFFFF3800  }
0x65: {  	_ =	sfence.sel $0x180000  }
0x66: {  	[bflag:$0x0] =	sbarrier.arrive $0xFFFF  }
0x67: {  	p0 =	sne.s32 s0, $0x0;
	_ =	strace $0x90000047  }
0x68: {  	s0 =	sadd.s32 @!p0 $0x100000, s2;
	[bflag:$0x2] =	sbarrier.arrive $0xFFFF  }
0x69: {  	[sflag:s0] =	ssyncadd.tile.s32 @!p0 $0x1;
	_ =	shalt  }
.Lfunc_end2:
_tile_overlayer_lowered:
.L_overlay_start_2:
0x6a: {  	(tag) =	ssettag $0x2  }
0x6b: {  	s0 =	rddreg [dreg:$0x0];
	s2 =	stileid.u32  }
0x6c: {  	s1 =	rddreg [dreg:$0x1];
	p0 =	sne.s32 s2, $0x0  }
0x6d: {  	s3 =	rddreg [dreg:$0x2];
	[bflag:$0x3] =	sbarrier.arrive $0xFFFF;
	s2 =	simm.s32 @!p0 $0x1C05  }
0x6e: {  	[timem:s3], [sflag:s2] =	dma.local @!p0 [hbm:s0], s1  }
0x6f: {  	s0 =	simm.s32 @!p0 $0x5  }
0x70: {  	_ =	swait.ge @!p0 [sflag:s0], s1  }
0x71: {  	s1 =	ssub.s32 @!p0 $0x0, s1;
	[sflag:s0] =	ssyncset.done @!p0 $0x0  }
0x72: {  	[sflag:s0] =	ssyncadd.s32 @!p0 s1  }
0x73: {  	[bflag:$0x3] =	sbarrier.arrive $0xFFFF  }
0x74: {  	_ =	shalt  }

</sc_bundles>
